<compile_context>
chip_gen: v7x
topology: tpu7x:2x2x1
jax: 0.10.2.dev20260603
libtpu: 0.0.44.dev20260713+nightly
codegen_flags: <defaults>
</compile_context>

<pallas_src>
import jax
import jax.numpy as jnp
from jax import lax
from jax.experimental import pallas as pl
from jax.experimental.pallas import tpu as pltpu
from jax.experimental.pallas import tpu_sc as plsc

N = 65536
HIDDEN = 256
NUM_MOL = 2048
NUM_Z = 100

NC = 2
NS = 16
NW = NC * NS
CHUNK = N // NW
GROUPS = CHUNK // 16
UNROLL = 4


def _table_body(emb_ref, w1_ref, b1_ref, w2_ref, b2_ref, out_ref):
    h = jnp.dot(emb_ref[...], w1_ref[...], preferred_element_type=jnp.float32)
    h = h + b1_ref[...]
    h = h * jax.nn.sigmoid(h)
    v = jnp.sum(h * w2_ref[...], axis=1)
    out_ref[...] = v + b2_ref[...]


def _compute_table(emb, w1, b1, w2, b2):
    return pl.pallas_call(
        _table_body,
        out_shape=jax.ShapeDtypeStruct((NUM_Z,), jnp.float32),
    )(emb, w1, b1, w2, b2)


def _pool_body(vals_hbm, z_hbm, b_hbm, out_hbm,
               vals_v, z_v, b_v, acc_v, sem):
    wid = lax.axis_index("s") * NC + lax.axis_index("c")
    base = wid * CHUNK
    c1 = pltpu.async_copy(vals_hbm, vals_v, sem)
    c2 = pltpu.async_copy(z_hbm.at[pl.ds(base, CHUNK)], z_v, sem)
    c3 = pltpu.async_copy(b_hbm.at[pl.ds(base, CHUNK)], b_v, sem)

    zeros16 = jnp.zeros((16,), jnp.float32)

    def zero_body(i, carry):
        for u in range(8):
            acc_v[pl.ds((i * 8 + u) * 16, 16)] = zeros16
        return carry

    lax.fori_loop(0, NUM_MOL // 16 // 8, zero_body, 0)

    c1.wait()
    c2.wait()
    c3.wait()

    lane = lax.iota(jnp.int32, 16)
    is_last = lane == 15
    shift_idx = jnp.minimum(lane + 1, 15)

    def group(g):
        off = g * 16
        zi = z_v[pl.ds(off, 16)]
        v = plsc.load_gather(vals_v, [zi])
        b = b_v[pl.ds(off, 16)]
        bs = lax.gather(
            b, shift_idx[:, None],
            lax.GatherDimensionNumbers(offset_dims=(),
                                       collapsed_slice_dims=(0,),
                                       start_index_map=(0,)),
            (1,), mode=lax.GatherScatterMode.PROMISE_IN_BOUNDS)
        c = plsc.cumsum(v)
        diff = (b != bs) & (~is_last)
        plsc.addupdate_scatter(acc_v, [b], c, mask=diff | is_last)
        plsc.addupdate_scatter(acc_v, [bs], -c, mask=diff)

    def body(i, carry):
        for u in range(UNROLL):
            group(i * UNROLL + u)
        return carry

    lax.fori_loop(0, GROUPS // UNROLL, body, 0)

    pltpu.sync_copy(acc_v, out_hbm.at[wid])


def _pool_call(vals, z, b):
    mesh = plsc.VectorSubcoreMesh(core_axis_name="c", subcore_axis_name="s")
    f = pl.kernel(
        _pool_body,
        out_type=jax.ShapeDtypeStruct((NW, NUM_MOL), jnp.float32),
        mesh=mesh,
        compiler_params=pltpu.CompilerParams(needs_layout_passes=False),
        scratch_types=[
            pltpu.VMEM((NUM_Z,), jnp.float32),
            pltpu.VMEM((CHUNK,), jnp.int32),
            pltpu.VMEM((CHUNK,), jnp.int32),
            pltpu.VMEM((NUM_MOL,), jnp.float32),
            pltpu.SemaphoreType.DMA,
        ],
    )
    return f(vals, z, b)


def _combine_body(p_ref, o_ref):
    o_ref[...] = jnp.sum(p_ref[...], axis=0, keepdims=True)


def _combine(partials):
    return pl.pallas_call(
        _combine_body,
        out_shape=jax.ShapeDtypeStruct((1, NUM_MOL), jnp.float32),
    )(partials)


def kernel(z, pos, batch, emb, W1, b1, W2, b2):
    del pos
    vals = _compute_table(emb, W1, b1.reshape(1, HIDDEN // 2),
                          W2.reshape(1, HIDDEN // 2), b2)

    partials = _pool_call(vals, z.astype(jnp.int32), batch.astype(jnp.int32))
    out = _combine(partials)
    return out.reshape(NUM_MOL, 1)

# --- scband reference (transcript-rebuilt; emitter-appended) ---
"""Pipeline reference for scband-output-network-54966991454468 (READ-ONLY COPY).

The authoritative reference and input builder live on the scoring server;
editing this copy changes nothing except your own understanding.
"""

import jax, jax.numpy as jnp
import numpy as np

N = 65536
HIDDEN = 256
NUM_MOL = 2048
NUM_Z = 100


def setup_inputs(seed: int = 0) -> dict:
    key = jax.random.key(seed)
    ks = jax.random.split(key, 8)
    z = jax.random.randint(ks[0], (N,), 0, NUM_Z, dtype=jnp.int64 if jax.config.jax_enable_x64 else jnp.int32)
    pos = jax.random.normal(ks[1], (N, 3), dtype=jnp.float32)
    batch = jnp.sort(jax.random.randint(ks[2], (N,), 0, NUM_MOL))
    # representation model stand-in: learned per-element embedding -> [N, HIDDEN]
    emb = jax.random.normal(ks[3], (NUM_Z, HIDDEN), dtype=jnp.float32) * 0.1
    # output_network = Linear(HIDDEN, HIDDEN//2) -> SiLU -> Linear(HIDDEN//2, 1)
    W1 = jax.random.normal(ks[4], (HIDDEN, HIDDEN // 2), dtype=jnp.float32) * (1.0 / np.sqrt(HIDDEN))
    b1 = jnp.zeros((HIDDEN // 2,), dtype=jnp.float32)
    W2 = jax.random.normal(ks[5], (HIDDEN // 2, 1), dtype=jnp.float32) * (1.0 / np.sqrt(HIDDEN // 2))
    b2 = jnp.zeros((1,), dtype=jnp.float32)
    return {"z": z, "pos": pos, "batch": batch, "emb": emb, "W1": W1, "b1": b1, "W2": W2, "b2": b2}


def reference(z, pos, batch, emb, W1, b1, W2, b2):
    # representation_model(z, pos, batch) -> x: [N, HIDDEN] (embedding lookup stand-in)
    x = jnp.take(emb, z, axis=0)
    # output_network MLP
    h = jnp.dot(x, W1) + b1
    h = jax.nn.silu(h)
    x = jnp.dot(h, W2) + b2  # [N, 1]
    # scatter-add pooling per molecule (reduce_op='add')
    out = jax.ops.segment_sum(x, batch, num_segments=NUM_MOL)  # [NUM_MOL, 1]
    # std/mean buffers default to 1.0 / 0.0
    out = out * 1.0 + 0.0
    return out

if __name__ == "__main__":
    import jax
    _d = setup_inputs()
    print(jax.jit(kernel)(*tuple(_d.values())))

</pallas_src>

<mosaic_0001>
#map = affine_map<(d0, d1) -> (0)>
#map1 = affine_map<(d0, d1) -> (0, 0)>
module attributes {stable_mosaic.version = 14 : i64} {
  func.func @_pool_body(%arg0: i32, %arg1: i32, %arg2: memref<100xf32, #tpu.memory_space<hbm>>, %arg3: memref<65536xi32, #tpu.memory_space<hbm>>, %arg4: memref<65536xi32, #tpu.memory_space<hbm>>, %arg5: memref<32x2048xf32, #tpu.memory_space<hbm>>, %arg6: memref<100xf32, #tpu.memory_space<vmem>>, %arg7: memref<2048xi32, #tpu.memory_space<vmem>>, %arg8: memref<2048xi32, #tpu.memory_space<vmem>>, %arg9: memref<2048xf32, #tpu.memory_space<vmem>>, %arg10: memref<!tpu.dma_semaphore, #tpu.memory_space<semaphore_mem>>) attributes {dimension_semantics = [#tpu.dimension_semantics<core_parallel>, #tpu.dimension_semantics<subcore_parallel>], iteration_bounds = array<i64: 2, 16>, scalar_prefetch = 0 : i64, scratch_operands = 5 : i64, tpu.core_type = #tpu.core_type<sc_vector_subcore>, window_params = [{transform_indices = #map}, {transform_indices = #map}, {transform_indices = #map}, {transform_indices = #map1}]} {
    %mul3A = arith.constant 2 : i32
    %mul3A_0 = arith.muli %arg1, %mul3A : i32
    %add3A = arith.addi %mul3A_0, %arg0 : i32
    %mul3A_1 = arith.constant 2048 : i32
    %mul3A_2 = arith.muli %add3A, %mul3A_1 : i32
    tpu.enqueue_dma source(%arg2 : memref<100xf32, #tpu.memory_space<hbm>>) target(%arg6 : memref<100xf32, #tpu.memory_space<vmem>>) target_semaphore(%arg10 : memref<!tpu.dma_semaphore, #tpu.memory_space<semaphore_mem>>)
    %dma_start3A = tpu.memref_slice %arg3[%mul3A_2] : memref<65536xi32, #tpu.memory_space<hbm>> -> memref<2048xi32, #tpu.memory_space<hbm>>
    %dma_start3A_3 = tpu.memref_slice %arg3[%mul3A_2] : memref<65536xi32, #tpu.memory_space<hbm>> -> memref<2048xi32, #tpu.memory_space<hbm>>
    tpu.enqueue_dma source(%dma_start3A_3 : memref<2048xi32, #tpu.memory_space<hbm>>) target(%arg7 : memref<2048xi32, #tpu.memory_space<vmem>>) target_semaphore(%arg10 : memref<!tpu.dma_semaphore, #tpu.memory_space<semaphore_mem>>)
    %dma_start3A_4 = tpu.memref_slice %arg4[%mul3A_2] : memref<65536xi32, #tpu.memory_space<hbm>> -> memref<2048xi32, #tpu.memory_space<hbm>>
    %dma_start3A_5 = tpu.memref_slice %arg4[%mul3A_2] : memref<65536xi32, #tpu.memory_space<hbm>> -> memref<2048xi32, #tpu.memory_space<hbm>>
    tpu.enqueue_dma source(%dma_start3A_5 : memref<2048xi32, #tpu.memory_space<hbm>>) target(%arg8 : memref<2048xi32, #tpu.memory_space<vmem>>) target_semaphore(%arg10 : memref<!tpu.dma_semaphore, #tpu.memory_space<semaphore_mem>>)
    %broadcast_in_dim3A = arith.constant 0.000000e+00 : f32
    %broadcast_in_dim3A_6 = vector.broadcast %broadcast_in_dim3A : f32 to vector<16xf32>
    %scan3A = arith.constant 0 : i32
    %scan3A_7 = arith.constant 0 : i32
    %scan3A_8 = arith.constant 16 : i32
    %scan3A_9 = arith.addi %scan3A_7, %scan3A_8 : i32
    %scan3A_10 = arith.constant 1 : i32
    scf.for %scan3A_28 = %scan3A_7 to %scan3A_9 step %scan3A_10  : i32 {
      %mul3A_29 = arith.constant 8 : i32
      %mul3A_30 = arith.muli %scan3A_28, %mul3A_29 : i32
      %add3A_31 = arith.constant 0 : i32
      %add3A_32 = arith.addi %mul3A_30, %add3A_31 : i32
      %mul3A_33 = arith.constant 16 : i32
      %mul3A_34 = arith.muli %add3A_32, %mul3A_33 : i32
      %swap3A = arith.index_cast %mul3A_34 : i32 to index
      %swap3A_35 = tpu.vector_load %arg9[%swap3A] {strides = array<i32>} : memref<2048xf32, #tpu.memory_space<vmem>>, vector<16xf32>,
      tpu.vector_store %arg9[%swap3A], %broadcast_in_dim3A_6 {strides = array<i32>} : memref<2048xf32, #tpu.memory_space<vmem>>, vector<16xf32>,
      %mul3A_36 = arith.constant 8 : i32
      %mul3A_37 = arith.muli %scan3A_28, %mul3A_36 : i32
      %add3A_38 = arith.constant 1 : i32
      %add3A_39 = arith.addi %mul3A_37, %add3A_38 : i32
      %mul3A_40 = arith.constant 16 : i32
      %mul3A_41 = arith.muli %add3A_39, %mul3A_40 : i32
      %swap3A_42 = arith.index_cast %mul3A_41 : i32 to index
      %swap3A_43 = tpu.vector_load %arg9[%swap3A_42] {strides = array<i32>} : memref<2048xf32, #tpu.memory_space<vmem>>, vector<16xf32>,
      tpu.vector_store %arg9[%swap3A_42], %broadcast_in_dim3A_6 {strides = array<i32>} : memref<2048xf32, #tpu.memory_space<vmem>>, vector<16xf32>,
      %mul3A_44 = arith.constant 8 : i32
      %mul3A_45 = arith.muli %scan3A_28, %mul3A_44 : i32
      %add3A_46 = arith.constant 2 : i32
      %add3A_47 = arith.addi %mul3A_45, %add3A_46 : i32
      %mul3A_48 = arith.constant 16 : i32
      %mul3A_49 = arith.muli %add3A_47, %mul3A_48 : i32
      %swap3A_50 = arith.index_cast %mul3A_49 : i32 to index
      %swap3A_51 = tpu.vector_load %arg9[%swap3A_50] {strides = array<i32>} : memref<2048xf32, #tpu.memory_space<vmem>>, vector<16xf32>,
      tpu.vector_store %arg9[%swap3A_50], %broadcast_in_dim3A_6 {strides = array<i32>} : memref<2048xf32, #tpu.memory_space<vmem>>, vector<16xf32>,
      %mul3A_52 = arith.constant 8 : i32
      %mul3A_53 = arith.muli %scan3A_28, %mul3A_52 : i32
      %add3A_54 = arith.constant 3 : i32
      %add3A_55 = arith.addi %mul3A_53, %add3A_54 : i32
      %mul3A_56 = arith.constant 16 : i32
      %mul3A_57 = arith.muli %add3A_55, %mul3A_56 : i32
      %swap3A_58 = arith.index_cast %mul3A_57 : i32 to index
      %swap3A_59 = tpu.vector_load %arg9[%swap3A_58] {strides = array<i32>} : memref<2048xf32, #tpu.memory_space<vmem>>, vector<16xf32>,
      tpu.vector_store %arg9[%swap3A_58], %broadcast_in_dim3A_6 {strides = array<i32>} : memref<2048xf32, #tpu.memory_space<vmem>>, vector<16xf32>,
      %mul3A_60 = arith.constant 8 : i32
      %mul3A_61 = arith.muli %scan3A_28, %mul3A_60 : i32
      %add3A_62 = arith.constant 4 : i32
      %add3A_63 = arith.addi %mul3A_61, %add3A_62 : i32
      %mul3A_64 = arith.constant 16 : i32
      %mul3A_65 = arith.muli %add3A_63, %mul3A_64 : i32
      %swap3A_66 = arith.index_cast %mul3A_65 : i32 to index
      %swap3A_67 = tpu.vector_load %arg9[%swap3A_66] {strides = array<i32>} : memref<2048xf32, #tpu.memory_space<vmem>>, vector<16xf32>,
      tpu.vector_store %arg9[%swap3A_66], %broadcast_in_dim3A_6 {strides = array<i32>} : memref<2048xf32, #tpu.memory_space<vmem>>, vector<16xf32>,
      %mul3A_68 = arith.constant 8 : i32
      %mul3A_69 = arith.muli %scan3A_28, %mul3A_68 : i32
      %add3A_70 = arith.constant 5 : i32
      %add3A_71 = arith.addi %mul3A_69, %add3A_70 : i32
      %mul3A_72 = arith.constant 16 : i32
      %mul3A_73 = arith.muli %add3A_71, %mul3A_72 : i32
      %swap3A_74 = arith.index_cast %mul3A_73 : i32 to index
      %swap3A_75 = tpu.vector_load %arg9[%swap3A_74] {strides = array<i32>} : memref<2048xf32, #tpu.memory_space<vmem>>, vector<16xf32>,
      tpu.vector_store %arg9[%swap3A_74], %broadcast_in_dim3A_6 {strides = array<i32>} : memref<2048xf32, #tpu.memory_space<vmem>>, vector<16xf32>,
      %mul3A_76 = arith.constant 8 : i32
      %mul3A_77 = arith.muli %scan3A_28, %mul3A_76 : i32
      %add3A_78 = arith.constant 6 : i32
      %add3A_79 = arith.addi %mul3A_77, %add3A_78 : i32
      %mul3A_80 = arith.constant 16 : i32
      %mul3A_81 = arith.muli %add3A_79, %mul3A_80 : i32
      %swap3A_82 = arith.index_cast %mul3A_81 : i32 to index
      %swap3A_83 = tpu.vector_load %arg9[%swap3A_82] {strides = array<i32>} : memref<2048xf32, #tpu.memory_space<vmem>>, vector<16xf32>,
      tpu.vector_store %arg9[%swap3A_82], %broadcast_in_dim3A_6 {strides = array<i32>} : memref<2048xf32, #tpu.memory_space<vmem>>, vector<16xf32>,
      %mul3A_84 = arith.constant 8 : i32
      %mul3A_85 = arith.muli %scan3A_28, %mul3A_84 : i32
      %add3A_86 = arith.constant 7 : i32
      %add3A_87 = arith.addi %mul3A_85, %add3A_86 : i32
      %mul3A_88 = arith.constant 16 : i32
      %mul3A_89 = arith.muli %add3A_87, %mul3A_88 : i32
      %swap3A_90 = arith.index_cast %mul3A_89 : i32 to index
      %swap3A_91 = tpu.vector_load %arg9[%swap3A_90] {strides = array<i32>} : memref<2048xf32, #tpu.memory_space<vmem>>, vector<16xf32>,
      tpu.vector_store %arg9[%swap3A_90], %broadcast_in_dim3A_6 {strides = array<i32>} : memref<2048xf32, #tpu.memory_space<vmem>>, vector<16xf32>,
    }
    %scan3A_11 = arith.constant 16 : i32
    tpu.wait_dma2 semaphore(%arg10 : memref<!tpu.dma_semaphore, #tpu.memory_space<semaphore_mem>>) src(%arg2 : memref<100xf32, #tpu.memory_space<hbm>>) dst(%arg6 : memref<100xf32, #tpu.memory_space<vmem>>)
    %dma_wait3A = tpu.memref_slice %arg3[%mul3A_2] : memref<65536xi32, #tpu.memory_space<hbm>> -> memref<2048xi32, #tpu.memory_space<hbm>>
    %dma_wait3A_12 = tpu.memref_slice %arg3[%mul3A_2] : memref<65536xi32, #tpu.memory_space<hbm>> -> memref<2048xi32, #tpu.memory_space<hbm>>
    tpu.wait_dma2 semaphore(%arg10 : memref<!tpu.dma_semaphore, #tpu.memory_space<semaphore_mem>>) src(%dma_wait3A_12 : memref<2048xi32, #tpu.memory_space<hbm>>) dst(%arg7 : memref<2048xi32, #tpu.memory_space<vmem>>)
    %dma_wait3A_13 = tpu.memref_slice %arg4[%mul3A_2] : memref<65536xi32, #tpu.memory_space<hbm>> -> memref<2048xi32, #tpu.memory_space<hbm>>
    %dma_wait3A_14 = tpu.memref_slice %arg4[%mul3A_2] : memref<65536xi32, #tpu.memory_space<hbm>> -> memref<2048xi32, #tpu.memory_space<hbm>>
    tpu.wait_dma2 semaphore(%arg10 : memref<!tpu.dma_semaphore, #tpu.memory_space<semaphore_mem>>) src(%dma_wait3A_14 : memref<2048xi32, #tpu.memory_space<hbm>>) dst(%arg8 : memref<2048xi32, #tpu.memory_space<vmem>>)
    %iota3A = tpu.iota {dimensions = array<i32: 0>} : vector<16xi32>
    %eq3A = arith.constant 15 : i32
    %eq3A_15 = vector.broadcast %eq3A : i32 to vector<16xi32>
    %eq3A_16 = arith.cmpi eq, %iota3A, %eq3A_15 : vector<16xi32>
    %add3A_17 = arith.constant 1 : i32
    %add3A_18 = vector.broadcast %add3A_17 : i32 to vector<16xi32>
    %add3A_19 = arith.addi %iota3A, %add3A_18 : vector<16xi32>
    %min3A = arith.constant 15 : i32
    %min3A_20 = vector.broadcast %min3A : i32 to vector<16xi32>
    %min3A_21 = arith.minsi %add3A_19, %min3A_20 : vector<16xi32>
    %scan3A_22 = arith.constant 0 : i32
    %scan3A_23 = arith.constant 0 : i32
    %scan3A_24 = arith.constant 32 : i32
    %scan3A_25 = arith.addi %scan3A_23, %scan3A_24 : i32
    %scan3A_26 = arith.constant 1 : i32
    scf.for %scan3A_28 = %scan3A_23 to %scan3A_25 step %scan3A_26  : i32 {
      %mul3A_29 = arith.constant 4 : i32
      %mul3A_30 = arith.muli %scan3A_28, %mul3A_29 : i32
      %add3A_31 = arith.constant 0 : i32
      %add3A_32 = arith.addi %mul3A_30, %add3A_31 : i32
      %mul3A_33 = arith.constant 16 : i32
      %mul3A_34 = arith.muli %add3A_32, %mul3A_33 : i32
      %get3A = arith.index_cast %mul3A_34 : i32 to index
      %get3A_35 = tpu.vector_load %arg7[%get3A] {strides = array<i32>} : memref<2048xi32, #tpu.memory_space<vmem>>, vector<16xi32>,
      %gather3A = tpu.vector_load_idx %arg6[%get3A_35] : memref<100xf32, #tpu.memory_space<vmem>>[vector<16xi32>], vector<16xf32>,
      %get3A_36 = arith.index_cast %mul3A_34 : i32 to index
      %get3A_37 = tpu.vector_load %arg8[%get3A_36] {strides = array<i32>} : memref<2048xi32, #tpu.memory_space<vmem>>, vector<16xi32>,
      %broadcast_in_dim3A_38 = vector.shape_cast %min3A_21 : vector<16xi32> to vector<16x1xi32>
      %gather3A_39 = vector.shape_cast %broadcast_in_dim3A_38 : vector<16x1xi32> to vector<16xi32>
      %gather3A_40 = tpu.dynamic_gather %get3A_37[%gather3A_39] in [0] : vector<16xi32>, vector<16xi32> -> vector<16xi32>
      %broadcast_in_dim3A_41 = arith.constant true
      %broadcast_in_dim3A_42 = vector.broadcast %broadcast_in_dim3A_41 : i1 to vector<16xi1>
      %masked_cumsum3A = tpu.scan <sum>, %gather3A masked %broadcast_in_dim3A_42 : vector<16xf32>, vector<16xi1> -> vector<16xf32>
      %ne3A = arith.cmpi ne, %get3A_37, %gather3A_40 : vector<16xi32>
      %not3A = arith.constant dense<true> : vector<16xi1>
      %not3A_43 = arith.xori %eq3A_16, %not3A : vector<16xi1>
      %and3A = arith.andi %ne3A, %not3A_43 : vector<16xi1>
      %or3A = arith.ori %and3A, %eq3A_16 : vector<16xi1>
      tpu.vector_store_idx %arg9[%get3A_37], %masked_cumsum3A masked %or3A {add = true} : memref<2048xf32, #tpu.memory_space<vmem>>[vector<16xi32>], vector<16xf32>, vector<16xi1>
      %neg3A = arith.constant 0.000000e+00 : f32
      %neg3A_44 = vector.broadcast %neg3A : f32 to vector<16xf32>
      %neg3A_45 = arith.subf %neg3A_44, %masked_cumsum3A : vector<16xf32>
      tpu.vector_store_idx %arg9[%gather3A_40], %neg3A_45 masked %and3A {add = true} : memref<2048xf32, #tpu.memory_space<vmem>>[vector<16xi32>], vector<16xf32>, vector<16xi1>
      %mul3A_46 = arith.constant 4 : i32
      %mul3A_47 = arith.muli %scan3A_28, %mul3A_46 : i32
      %add3A_48 = arith.constant 1 : i32
      %add3A_49 = arith.addi %mul3A_47, %add3A_48 : i32
      %mul3A_50 = arith.constant 16 : i32
      %mul3A_51 = arith.muli %add3A_49, %mul3A_50 : i32
      %get3A_52 = arith.index_cast %mul3A_51 : i32 to index
      %get3A_53 = tpu.vector_load %arg7[%get3A_52] {strides = array<i32>} : memref<2048xi32, #tpu.memory_space<vmem>>, vector<16xi32>,
      %gather3A_54 = tpu.vector_load_idx %arg6[%get3A_53] : memref<100xf32, #tpu.memory_space<vmem>>[vector<16xi32>], vector<16xf32>,
      %get3A_55 = arith.index_cast %mul3A_51 : i32 to index
      %get3A_56 = tpu.vector_load %arg8[%get3A_55] {strides = array<i32>} : memref<2048xi32, #tpu.memory_space<vmem>>, vector<16xi32>,
      %broadcast_in_dim3A_57 = vector.shape_cast %min3A_21 : vector<16xi32> to vector<16x1xi32>
      %gather3A_58 = vector.shape_cast %broadcast_in_dim3A_57 : vector<16x1xi32> to vector<16xi32>
      %gather3A_59 = tpu.dynamic_gather %get3A_56[%gather3A_58] in [0] : vector<16xi32>, vector<16xi32> -> vector<16xi32>
      %broadcast_in_dim3A_60 = arith.constant true
      %broadcast_in_dim3A_61 = vector.broadcast %broadcast_in_dim3A_60 : i1 to vector<16xi1>
      %masked_cumsum3A_62 = tpu.scan <sum>, %gather3A_54 masked %broadcast_in_dim3A_61 : vector<16xf32>, vector<16xi1> -> vector<16xf32>
      %ne3A_63 = arith.cmpi ne, %get3A_56, %gather3A_59 : vector<16xi32>
      %not3A_64 = arith.constant dense<true> : vector<16xi1>
      %not3A_65 = arith.xori %eq3A_16, %not3A_64 : vector<16xi1>
      %and3A_66 = arith.andi %ne3A_63, %not3A_65 : vector<16xi1>
      %or3A_67 = arith.ori %and3A_66, %eq3A_16 : vector<16xi1>
      tpu.vector_store_idx %arg9[%get3A_56], %masked_cumsum3A_62 masked %or3A_67 {add = true} : memref<2048xf32, #tpu.memory_space<vmem>>[vector<16xi32>], vector<16xf32>, vector<16xi1>
      %neg3A_68 = arith.constant 0.000000e+00 : f32
      %neg3A_69 = vector.broadcast %neg3A_68 : f32 to vector<16xf32>
      %neg3A_70 = arith.subf %neg3A_69, %masked_cumsum3A_62 : vector<16xf32>
      tpu.vector_store_idx %arg9[%gather3A_59], %neg3A_70 masked %and3A_66 {add = true} : memref<2048xf32, #tpu.memory_space<vmem>>[vector<16xi32>], vector<16xf32>, vector<16xi1>
      %mul3A_71 = arith.constant 4 : i32
      %mul3A_72 = arith.muli %scan3A_28, %mul3A_71 : i32
      %add3A_73 = arith.constant 2 : i32
      %add3A_74 = arith.addi %mul3A_72, %add3A_73 : i32
      %mul3A_75 = arith.constant 16 : i32
      %mul3A_76 = arith.muli %add3A_74, %mul3A_75 : i32
      %get3A_77 = arith.index_cast %mul3A_76 : i32 to index
      %get3A_78 = tpu.vector_load %arg7[%get3A_77] {strides = array<i32>} : memref<2048xi32, #tpu.memory_space<vmem>>, vector<16xi32>,
      %gather3A_79 = tpu.vector_load_idx %arg6[%get3A_78] : memref<100xf32, #tpu.memory_space<vmem>>[vector<16xi32>], vector<16xf32>,
      %get3A_80 = arith.index_cast %mul3A_76 : i32 to index
      %get3A_81 = tpu.vector_load %arg8[%get3A_80] {strides = array<i32>} : memref<2048xi32, #tpu.memory_space<vmem>>, vector<16xi32>,
      %broadcast_in_dim3A_82 = vector.shape_cast %min3A_21 : vector<16xi32> to vector<16x1xi32>
      %gather3A_83 = vector.shape_cast %broadcast_in_dim3A_82 : vector<16x1xi32> to vector<16xi32>
      %gather3A_84 = tpu.dynamic_gather %get3A_81[%gather3A_83] in [0] : vector<16xi32>, vector<16xi32> -> vector<16xi32>
      %broadcast_in_dim3A_85 = arith.constant true
      %broadcast_in_dim3A_86 = vector.broadcast %broadcast_in_dim3A_85 : i1 to vector<16xi1>
      %masked_cumsum3A_87 = tpu.scan <sum>, %gather3A_79 masked %broadcast_in_dim3A_86 : vector<16xf32>, vector<16xi1> -> vector<16xf32>
      %ne3A_88 = arith.cmpi ne, %get3A_81, %gather3A_84 : vector<16xi32>
      %not3A_89 = arith.constant dense<true> : vector<16xi1>
      %not3A_90 = arith.xori %eq3A_16, %not3A_89 : vector<16xi1>
      %and3A_91 = arith.andi %ne3A_88, %not3A_90 : vector<16xi1>
      %or3A_92 = arith.ori %and3A_91, %eq3A_16 : vector<16xi1>
      tpu.vector_store_idx %arg9[%get3A_81], %masked_cumsum3A_87 masked %or3A_92 {add = true} : memref<2048xf32, #tpu.memory_space<vmem>>[vector<16xi32>], vector<16xf32>, vector<16xi1>
      %neg3A_93 = arith.constant 0.000000e+00 : f32
      %neg3A_94 = vector.broadcast %neg3A_93 : f32 to vector<16xf32>
      %neg3A_95 = arith.subf %neg3A_94, %masked_cumsum3A_87 : vector<16xf32>
      tpu.vector_store_idx %arg9[%gather3A_84], %neg3A_95 masked %and3A_91 {add = true} : memref<2048xf32, #tpu.memory_space<vmem>>[vector<16xi32>], vector<16xf32>, vector<16xi1>
      %mul3A_96 = arith.constant 4 : i32
      %mul3A_97 = arith.muli %scan3A_28, %mul3A_96 : i32
      %add3A_98 = arith.constant 3 : i32
      %add3A_99 = arith.addi %mul3A_97, %add3A_98 : i32
      %mul3A_100 = arith.constant 16 : i32
      %mul3A_101 = arith.muli %add3A_99, %mul3A_100 : i32
      %get3A_102 = arith.index_cast %mul3A_101 : i32 to index
      %get3A_103 = tpu.vector_load %arg7[%get3A_102] {strides = array<i32>} : memref<2048xi32, #tpu.memory_space<vmem>>, vector<16xi32>,
      %gather3A_104 = tpu.vector_load_idx %arg6[%get3A_103] : memref<100xf32, #tpu.memory_space<vmem>>[vector<16xi32>], vector<16xf32>,
      %get3A_105 = arith.index_cast %mul3A_101 : i32 to index
      %get3A_106 = tpu.vector_load %arg8[%get3A_105] {strides = array<i32>} : memref<2048xi32, #tpu.memory_space<vmem>>, vector<16xi32>,
      %broadcast_in_dim3A_107 = vector.shape_cast %min3A_21 : vector<16xi32> to vector<16x1xi32>
      %gather3A_108 = vector.shape_cast %broadcast_in_dim3A_107 : vector<16x1xi32> to vector<16xi32>
      %gather3A_109 = tpu.dynamic_gather %get3A_106[%gather3A_108] in [0] : vector<16xi32>, vector<16xi32> -> vector<16xi32>
      %broadcast_in_dim3A_110 = arith.constant true
      %broadcast_in_dim3A_111 = vector.broadcast %broadcast_in_dim3A_110 : i1 to vector<16xi1>
      %masked_cumsum3A_112 = tpu.scan <sum>, %gather3A_104 masked %broadcast_in_dim3A_111 : vector<16xf32>, vector<16xi1> -> vector<16xf32>
      %ne3A_113 = arith.cmpi ne, %get3A_106, %gather3A_109 : vector<16xi32>
      %not3A_114 = arith.constant dense<true> : vector<16xi1>
      %not3A_115 = arith.xori %eq3A_16, %not3A_114 : vector<16xi1>
      %and3A_116 = arith.andi %ne3A_113, %not3A_115 : vector<16xi1>
      %or3A_117 = arith.ori %and3A_116, %eq3A_16 : vector<16xi1>
      tpu.vector_store_idx %arg9[%get3A_106], %masked_cumsum3A_112 masked %or3A_117 {add = true} : memref<2048xf32, #tpu.memory_space<vmem>>[vector<16xi32>], vector<16xf32>, vector<16xi1>
      %neg3A_118 = arith.constant 0.000000e+00 : f32
      %neg3A_119 = vector.broadcast %neg3A_118 : f32 to vector<16xf32>
      %neg3A_120 = arith.subf %neg3A_119, %masked_cumsum3A_112 : vector<16xf32>
      tpu.vector_store_idx %arg9[%gather3A_109], %neg3A_120 masked %and3A_116 {add = true} : memref<2048xf32, #tpu.memory_space<vmem>>[vector<16xi32>], vector<16xf32>, vector<16xi1>
    }
    %scan3A_27 = arith.constant 32 : i32
    "tpu.region"() ({
      %run_scoped3A = tpu.sem_alloc : memref<!tpu.dma_semaphore, #tpu.memory_space<semaphore_mem>>
      %dma_start3A_28 = arith.constant 0 : i32
      %dma_start3A_29 = tpu.memref_slice %arg5[%add3A, %dma_start3A_28] : memref<32x2048xf32, #tpu.memory_space<hbm>> -> memref<1x2048xf32, #tpu.memory_space<hbm>>
      %dma_start3A_30 = tpu.memref_squeeze %dma_start3A_29 : memref<1x2048xf32, #tpu.memory_space<hbm>> -> memref<2048xf32, #tpu.memory_space<hbm>>
      %dma_start3A_31 = arith.constant 0 : i32
      %dma_start3A_32 = tpu.memref_slice %arg5[%add3A, %dma_start3A_31] : memref<32x2048xf32, #tpu.memory_space<hbm>> -> memref<1x2048xf32, #tpu.memory_space<hbm>>
      %dma_start3A_33 = tpu.memref_squeeze %dma_start3A_32 : memref<1x2048xf32, #tpu.memory_space<hbm>> -> memref<2048xf32, #tpu.memory_space<hbm>>
      tpu.enqueue_dma source(%arg9 : memref<2048xf32, #tpu.memory_space<vmem>>) target(%dma_start3A_33 : memref<2048xf32, #tpu.memory_space<hbm>>) target_semaphore(%run_scoped3A : memref<!tpu.dma_semaphore, #tpu.memory_space<semaphore_mem>>)
      %dma_wait3A_34 = arith.constant 0 : i32
      %dma_wait3A_35 = tpu.memref_slice %arg5[%add3A, %dma_wait3A_34] : memref<32x2048xf32, #tpu.memory_space<hbm>> -> memref<1x2048xf32, #tpu.memory_space<hbm>>
      %dma_wait3A_36 = tpu.memref_squeeze %dma_wait3A_35 : memref<1x2048xf32, #tpu.memory_space<hbm>> -> memref<2048xf32, #tpu.memory_space<hbm>>
      %dma_wait3A_37 = arith.constant 0 : i32
      %dma_wait3A_38 = tpu.memref_slice %arg5[%add3A, %dma_wait3A_37] : memref<32x2048xf32, #tpu.memory_space<hbm>> -> memref<1x2048xf32, #tpu.memory_space<hbm>>
      %dma_wait3A_39 = tpu.memref_squeeze %dma_wait3A_38 : memref<1x2048xf32, #tpu.memory_space<hbm>> -> memref<2048xf32, #tpu.memory_space<hbm>>
      tpu.wait_dma2 semaphore(%run_scoped3A : memref<!tpu.dma_semaphore, #tpu.memory_space<semaphore_mem>>) src(%arg9 : memref<2048xf32, #tpu.memory_space<vmem>>) dst(%dma_wait3A_39 : memref<2048xf32, #tpu.memory_space<hbm>>)
      tpu.yield
    }) : () -> ()
    return
  }
}

module attributes {stable_mosaic.version = 14 : i64} {
  func.func @_combine_body(%arg0: memref<32x2048xf32, #tpu.memory_space<vmem>>, %arg1: memref<1x2048xf32, #tpu.memory_space<vmem>>) attributes {dimension_semantics = [], scalar_prefetch = 0 : i64, scratch_operands = 0 : i64, tpu.core_type = #tpu.core_type<tc>} {
    %get3A = arith.constant 0 : index
    %get3A_0 = arith.constant 0 : index
    %get3A_1 = vector.load %arg0[%get3A, %get3A_0] : memref<32x2048xf32, #tpu.memory_space<vmem>>, vector<32x2048xf32>
    %reduce_sum3A = arith.constant dense<0.000000e+00> : vector<2048xf32>
    %reduce_sum3A_2 = vector.multi_reduction <add>, %get3A_1, %reduce_sum3A [0] : vector<32x2048xf32> to vector<2048xf32>
    %broadcast_in_dim3A = vector.shape_cast %reduce_sum3A_2 : vector<2048xf32> to vector<1x2048xf32>
    %swap3A = arith.constant 0 : index
    %swap3A_3 = arith.constant 0 : index
    %swap3A_4 = vector.load %arg1[%swap3A, %swap3A_3] : memref<1x2048xf32, #tpu.memory_space<vmem>>, vector<1x2048xf32>
    tpu.vector_store %arg1[%swap3A, %swap3A_3], %broadcast_in_dim3A {strides = array<i32>} : memref<1x2048xf32, #tpu.memory_space<vmem>>, vector<1x2048xf32>,
    return
  }
}

module attributes {stable_mosaic.version = 14 : i64} {
  func.func @_table_body(%arg0: memref<100x256xf32, #tpu.memory_space<vmem>>, %arg1: memref<256x128xf32, #tpu.memory_space<vmem>>, %arg2: memref<1x128xf32, #tpu.memory_space<vmem>>, %arg3: memref<1x128xf32, #tpu.memory_space<vmem>>, %arg4: memref<1xf32, #tpu.memory_space<vmem>>, %arg5: memref<100xf32, #tpu.memory_space<vmem>>) attributes {dimension_semantics = [], scalar_prefetch = 0 : i64, scratch_operands = 0 : i64, tpu.core_type = #tpu.core_type<tc>} {
    %get3A = arith.constant 0 : index
    %get3A_0 = arith.constant 0 : index
    %get3A_1 = vector.load %arg0[%get3A, %get3A_0] : memref<100x256xf32, #tpu.memory_space<vmem>>, vector<100x256xf32>
    %get3A_2 = arith.constant 0 : index
    %get3A_3 = arith.constant 0 : index
    %get3A_4 = vector.load %arg1[%get3A_2, %get3A_3] : memref<256x128xf32, #tpu.memory_space<vmem>>, vector<256x128xf32>
    %dot_general3A = arith.constant dense<0.000000e+00> : vector<100x128xf32>
    %dot_general3A_5 = tpu.matmul %get3A_1, %get3A_4, %dot_general3A {dimension_numbers = #tpu.dot_dimension_numbers<[1], [0], [0], [1], [0, 0, 1, 1], [], []>, transpose_lhs_hint = false} : vector<100x256xf32>, vector<256x128xf32>, vector<100x128xf32> -> vector<100x128xf32>
    %get3A_6 = arith.constant 0 : index
    %get3A_7 = arith.constant 0 : index
    %get3A_8 = vector.load %arg2[%get3A_6, %get3A_7] : memref<1x128xf32, #tpu.memory_space<vmem>>, vector<1x128xf32>
    %add3A = vector.broadcast %get3A_8 : vector<1x128xf32> to vector<100x128xf32>
    %add3A_9 = arith.addf %dot_general3A_5, %add3A : vector<100x128xf32>
    %logistic3A = arith.negf %add3A_9 : vector<100x128xf32>
    %logistic3A_10 = math.exp %logistic3A : vector<100x128xf32>
    %logistic3A_11 = arith.constant 1.000000e+00 : f32
    %logistic3A_12 = vector.broadcast %logistic3A_11 : f32 to vector<100x128xf32>
    %logistic3A_13 = arith.addf %logistic3A_12, %logistic3A_10 : vector<100x128xf32>
    %logistic3A_14 = arith.divf %logistic3A_12, %logistic3A_13 : vector<100x128xf32>
    %mul3A = arith.mulf %add3A_9, %logistic3A_14 : vector<100x128xf32>
    %get3A_15 = arith.constant 0 : index
    %get3A_16 = arith.constant 0 : index
    %get3A_17 = vector.load %arg3[%get3A_15, %get3A_16] : memref<1x128xf32, #tpu.memory_space<vmem>>, vector<1x128xf32>
    %mul3A_18 = vector.broadcast %get3A_17 : vector<1x128xf32> to vector<100x128xf32>
    %mul3A_19 = arith.mulf %mul3A, %mul3A_18 : vector<100x128xf32>
    %reduce_sum3A = arith.constant dense<0.000000e+00> : vector<100xf32>
    %reduce_sum3A_20 = vector.multi_reduction <add>, %mul3A_19, %reduce_sum3A [1] : vector<100x128xf32> to vector<100xf32>
    %get3A_21 = arith.constant 0 : index
    %get3A_22 = vector.load %arg4[%get3A_21] : memref<1xf32, #tpu.memory_space<vmem>>, vector<1xf32>
    %add3A_23 = vector.broadcast %get3A_22 : vector<1xf32> to vector<100xf32>
    %add3A_24 = arith.addf %reduce_sum3A_20, %add3A_23 : vector<100xf32>
    %swap3A = arith.constant 0 : index
    %swap3A_25 = vector.load %arg5[%swap3A] : memref<100xf32, #tpu.memory_space<vmem>>, vector<100xf32>
    tpu.vector_store %arg5[%swap3A], %add3A_24 {strides = array<i32>} : memref<100xf32, #tpu.memory_space<vmem>>, vector<100xf32>,
    return
  }
}

</mosaic_0001>

<sc_bundles>
// kernel: kernel.5.cloned.1.call-start
scs
__scs_entry_jumppad:
0x0: {  	(pc) =	sbr.rel $0x88, $3  }
0x1: {  	(tag) =	ssettag $0x0;
	lr =	simm.s32 $0x1  }
0x2: {  	[smem:$0x3F9A] =	sst lr;
	_ =	strace $0xD0000000  }
0x3: {  	_ = 	snop  }
0x4: {  	_ = 	snop  }
0x5: {  	_ = 	snop  }
0x6: {  	_ = 	snop  }
0x7: {  	_ = 	snop  }
__scs_overlays_trampoline_lowered:
0x8: {  	[smem:$0x3FA9] =	sst s0  }
0x9: {  	[smem:$0x3FAA] =	sst s1  }
0xa: {  	[smem:$0x3FAB] =	sst s2  }
0xb: {  	[smem:$0x3FAC] =	sst s3  }
0xc: {  	[smem:$0x3FAD] =	sst s4  }
0xd: {  	[smem:$0x3FAE] =	sst s5  }
0xe: {  	[smem:$0x3FAF] =	sst s6  }
0xf: {  	[smem:$0x3FB0] =	sst s7  }
0x10: {  	[smem:$0x3FB1] =	sst s8  }
0x11: {  	[smem:$0x3FB2] =	sst s9;
	s0 =	simm.s32 @!p0 $0x0  }
0x12: {  	s1 =	sld [smem:$0x3F98];
	s0 =	simm.s32 @p0 $0x1  }
0x13: {  	[smem:$0x3FB3] =	sst s0;
	s0 =	simm.s32 @!p1 $0x0  }
0x14: {  	s2 =	sld [smem:$0x3F97];
	s0 =	simm.s32 @p1 $0x1  }
0x15: {  	[smem:$0x3FB4] =	sst s0;
	s0 =	simm.s32 @!p2 $0x0  }
0x16: {  	s3 =	sld [smem:$0x3FDB];
	s0 =	simm.s32 @p2 $0x1  }
0x17: {  	s4 =	simm.s32 $0x1BF5;
	[smem:$0x3FB6] =	sst s0  }
0x18: {  	s0 =	sld [smem:$0x3F99];
	_ =	swait.ge [sflag:s4], $0x0  }
0x19: {  	s7 =	sld [smem:$0x3F9A]  }
0x1a: {  	s8 =	sadd.s32 $0xFFFFE003, lr  }
0x1b: {  	s9 =	sadd.s32 $0xFFFFFEF7, lr;
	s5 =	simm.s32 $0xFFFFFFFF;
	p2 =	slt.u32 s8, $0xFFFFF086  }
0x1c: {  	p1 =	slt.u32 s9, $0xF7A;
	s5 =	simm.s32 @!p2 $0x0  }
0x1d: {  	s5 =	simm.s32 @p1 $0x1;
	p0 =	seq.s32 s7, s2  }
0x1e: {  	s7 =	smul.u32 @!p0 $0xF7A, s2;
	p2 =	seq.s32 @!p0 s5, $0x0  }
0x1f: {  	s9 =	smul.u32 $0xF7A, s1;
	s8 =	simm.s32 @!p0 $0x1BF5;
	p2 =	por !p2, p0  }
0x20: {  	[sflag:s8] =	ssyncset.s32 @!p0 $0xFFFFF086;
	s6 =	sadd.s32 @!p0 s3, s7;
	s7 =	simm.s32 @!p0 $0x108  }
0x21: {  	s3 =	sadd.s32 s3, s9;
	s6 =	sadd.s32 @!p0 $0x88, s6;
	s7 =	simm.s32 @p2 $0x1082  }
0x22: {  	[simem:s7], [sflag:s8] =	dma.local @!p0 [hbm:s6], $0xF7A  }
0x23: {  	s9 =	sor.u32 $0xD0000000, s2;
	s6 =	simm.s32 $0x108;
	_ =	swait.ge @!p0 [sflag:s8], $0x0  }
0x24: {  	s3 =	sadd.s32 $0x88, s3;
	s6 =	simm.s32 @!p1 $0x1082;
	[sflag:s4] =	ssyncset.s32 $0xFFFFF086  }
0x25: {  	[simem:s6], [sflag:s4] =	dma.local [hbm:s3], $0xF7A  }
0x26: {  	[smem:$0x3F9A] =	sst s1;
	(tag) =	ssettag s2;
	_ =	strace s9  }
0x27: {  	s1 =	sld [smem:$0x3FAA]  }
0x28: {  	s2 =	sld [smem:$0x3FAB]  }
0x29: {  	s4 =	sld [smem:$0x3FAD]  }
0x2a: {  	p0 =	seq.s32 s5, $0x0;
	s5 =	sld [smem:$0x3FAE]  }
0x2b: {  	s6 =	sld [smem:$0x3FAF]  }
0x2c: {  	s7 =	sld [smem:$0x3FB0]  }
0x2d: {  	s3 =	simm.s32 $0x108;
	s8 =	sld [smem:$0x3FB1]  }
0x2e: {  	s3 =	simm.s32 @!p0 $0x1082;
	s9 =	sld [smem:$0x3FB2]  }
0x2f: {  	lr =	sadd.s32 s0, s3;
	s0 =	sld [smem:$0x3FA9]  }
0x30: {  	s3 =	sld [smem:$0x3FAC]  }
0x31: {  	[smem:$0x3FB5] =	sst s10  }
0x32: {  	s10 =	sld [smem:$0x3FB3];
	_ =	sdelay $0x3  }
0x33: {  	p0 =	seq.s32 s10, $0x1;
	s10 =	sld [smem:$0x3FB5];
	_ =	sdelay $0x3  }
0x34: {  	[smem:$0x3FB5] =	sst s10  }
0x35: {  	s10 =	sld [smem:$0x3FB4];
	_ =	sdelay $0x3  }
0x36: {  	p1 =	seq.s32 s10, $0x1;
	s10 =	sld [smem:$0x3FB5];
	_ =	sdelay $0x3  }
0x37: {  	[smem:$0x3FB5] =	sst s10  }
0x38: {  	s10 =	sld [smem:$0x3FB6]  }
0x39: {  	_ = 	snop;
	(pc) =	sbr.ind lr, $3  }
0x3a: {  	_ = 	snop  }
0x3b: {  	_ = 	snop  }
0x3c: {  	p2 =	seq.s32 s10, $0x1;
	s10 =	sld [smem:$0x3FB5]  }
0x3d: {  	_ =	shalt  }
0x3e: {  	_ =	shalt  }
0x3f: {  	_ =	shalt  }
0x40: {  	_ =	shalt  }
0x41: {  	_ =	shalt  }
0x42: {  	_ =	shalt  }
0x43: {  	_ =	shalt  }
0x44: {  	_ =	shalt  }
0x45: {  	_ =	shalt  }
0x46: {  	_ =	shalt  }
0x47: {  	_ =	shalt  }
0x48: {  	_ =	shalt  }
0x49: {  	_ =	shalt  }
0x4a: {  	_ =	shalt  }
0x4b: {  	_ =	shalt  }
0x4c: {  	_ =	shalt  }
0x4d: {  	_ =	shalt  }
0x4e: {  	_ =	shalt  }
0x4f: {  	_ =	shalt  }
0x50: {  	_ =	shalt  }
0x51: {  	_ =	shalt  }
0x52: {  	_ =	shalt  }
0x53: {  	_ =	shalt  }
0x54: {  	_ =	shalt  }
0x55: {  	_ =	shalt  }
0x56: {  	_ =	shalt  }
0x57: {  	_ =	shalt  }
0x58: {  	_ =	shalt  }
0x59: {  	_ =	shalt  }
0x5a: {  	_ =	shalt  }
0x5b: {  	_ =	shalt  }
0x5c: {  	_ =	shalt  }
0x5d: {  	_ =	shalt  }
0x5e: {  	_ =	shalt  }
0x5f: {  	_ =	shalt  }
0x60: {  	_ =	shalt  }
0x61: {  	_ =	shalt  }
0x62: {  	_ =	shalt  }
0x63: {  	_ =	shalt  }
0x64: {  	_ =	shalt  }
0x65: {  	_ =	shalt  }
0x66: {  	_ =	shalt  }
0x67: {  	_ =	shalt  }
0x68: {  	_ =	shalt  }
0x69: {  	_ =	shalt  }
0x6a: {  	_ =	shalt  }
0x6b: {  	_ =	shalt  }
0x6c: {  	_ =	shalt  }
0x6d: {  	_ =	shalt  }
0x6e: {  	_ =	shalt  }
0x6f: {  	_ =	shalt  }
0x70: {  	_ =	shalt  }
0x71: {  	_ =	shalt  }
0x72: {  	_ =	shalt  }
0x73: {  	_ =	shalt  }
0x74: {  	_ =	shalt  }
0x75: {  	_ =	shalt  }
0x76: {  	_ =	shalt  }
0x77: {  	_ =	shalt  }
0x78: {  	_ =	shalt  }
0x79: {  	_ =	shalt  }
0x7a: {  	_ =	shalt  }
0x7b: {  	_ =	shalt  }
0x7c: {  	_ =	shalt  }
0x7d: {  	_ =	shalt  }
0x7e: {  	_ =	shalt  }
0x7f: {  	_ =	shalt  }
0x80: {  	_ =	shalt  }
0x81: {  	_ =	shalt  }
0x82: {  	_ =	shalt  }
0x83: {  	_ =	shalt  }
0x84: {  	_ =	shalt  }
0x85: {  	_ =	shalt  }
0x86: {  	_ =	shalt  }
0x87: {  	_ =	shalt  }
.Lfunc_end0:
.L_simem_size_0:
called_computation_lowered:
.L_overlay_start_0:
0x88: {  	s2 =	sld [smem:$0x3FD9]  }
0x89: {  	s3 =	sld [smem:$0x3FFE];
	_ =	sdelay $0x1  }
0x8a: {  	s1 =	srdreg.scid  }
0x8b: {  	s0 =	sand.u32 $0x1, s1  }
0x8c: {  	s17 =	sshll.u32 s0, $0xA;
	s2 =	sadd.s32 s3, s2  }
0x8d: {  	s2 =	sadd.s32 s2, s17  }
0x8e: {  	[smem:$0x3FC1] =	sst s2  }
0x8f: {  	_ = 	snop  }
0x90: {  	s2 =	sld [smem:$0x3FC9]  }
0x91: {  	s18 =	sld [smem:$0x3FC8]  }
0x92: {  	s4 =	sld [smem:$0x3FD0];
	(tm) =	ssettm $0x1  }
0x93: {  	s5 =	sld [smem:$0x3FFB];
	_ =	sdelay $0x3  }
0x94: {  	_ =	strace s5  }
0x95: {  	s5 =	sld [smem:$0x3FFC];
	_ =	sdelay $0x3  }
0x96: {  	_ =	strace s5  }
0x97: {  	s5 =	sld [smem:$0x3FFD];
	_ =	sdelay $0x3  }
0x98: {  	_ =	strace s5  }
0x99: {  	_ =	strace $0x8FFFFFFF  }
0x9a: {  	s19 =	sld [smem:$0x3FDB];
	_ =	sdelay $0x1  }
0x9b: {  	s6 =	simm.s32 $_scs_section_size  }
0x9c: {  	s7 =	simm.s32 $_size__tile_overlayer_lowered;
	s8 =	simm.s32 $_tile_overlayer_lowered  }
0x9d: {  	s22 =	simm.s32 $0x1BFF;
	s21 =	sshll.u32 s8, $0x1;
	s5 =	sadd.s32 s6, s19  }
0x9e: {  	s9 =	simm.s32 $0x0;
	s20 =	sshll.u32 s7, $0x1;
	s7 =	sadd.s32 s21, s5  }
0x9f: {  	[timem:s9], [sflag:s22] =	dma.local [hbm:s7], s20  }
0xa0: {  	_ =	swait.ge [sflag:s22], s20  }
0xa1: {  	s6 =	ssub.s32 $0x0, s20;
	[sflag:s22] =	ssyncset.done $0x0  }
0xa2: {  	[sflag:s22] =	ssyncadd.s32 s6;
	_ =	sdelay $0x1  }
0xa3: {  	s23 =	simm.s32 $0x1B8B  }
0xa4: {  	_ =	swait.ge [sflag:s23], $0x1  }
0xa5: {  	[sflag:s23] =	ssyncset.done $0x0  }
0xa6: {  	s25 =	simm.s32 $0x1B8E;
	s24 =	sld [smem:$0x3FFE];
	[sflag:s23] =	ssyncadd.s32 $0xFFFFFFFF  }
0xa7: {  	s26 =	simm.s32 $execute0_lowered;
	[smem:$0x3FD2] =	sst s25  }
0xa8: {  	s7 =	sshll.u32 s26, $0x1;
	_ =	strace $0x80000046;
	[dreg:$0x1] =	wrdreg $0xFFFFFFFF  }
0xa9: {  	s28 =	simm.s32 $_size_execute0_lowered;
	s5 =	sadd.s32 s5, s7;
	[dreg:$0x0] =	wrdreg $0x0  }
0xaa: {  	s7 =	sshll.u32 s28, $0x1;
	[dreg:$0x2] =	wrdreg s5  }
0xab: {  	[dreg:$0x3] =	wrdreg s7  }
0xac: {  	[dreg:$0x4] =	wrdreg $0xC0  }
0xad: {  	_ =	task [dreg:s9], $0x5FFFF  }
0xae: {  	[dreg:$0x1] =	wrdreg $0xFFFFFFFF  }
0xaf: {  	[dreg:$0x0] =	wrdreg $0x60  }
0xb0: {  	[dreg:$0x2] =	wrdreg s4  }
0xb1: {  	[dreg:$0x3] =	wrdreg s2  }
0xb2: {  	[dreg:$0x4] =	wrdreg s18  }
0xb3: {  	[dreg:$0x5] =	wrdreg s24  }
0xb4: {  	[dreg:$0x6] =	wrdreg $0x9  }
0xb5: {  	_ =	task.clear_ibuf [dreg:s9], $0x7FFFF;
	_ =	strace $0x90000046  }
0xb6: {  	s29 =	simm.s32 $0x9;
	_ =	strace $0x80000048  }
0xb7: {  	_ =	swait.ge [sflag:s29], $0x1  }
0xb8: {  	[sflag:s29] =	ssyncadd.s32 $0xFFFFFFFF  }
0xb9: {  	_ =	strace $0x90000048  }
0xba: {  	_ =	sfence  }
0xbb: {  	s30 =	sld [smem:$0x0];
	_ =	sdelay $0x2  }
0xbc: {  	s31 =	sshll.u32 s1, $0xD;
	s1 =	sshrl.u32 s1, $0x2  }
0xbd: {  	s3 =	sand.u32 $0x4000, s31;
	s1 =	sadd.s32 s1, s30  }
0xbe: {  	s0 =	sor.u32 s3, s0;
	s1 =	sshll.u32 s1, $0x11  }
0xbf: {  	s0 =	sor.u32 s1, s0  }
0xc0: {  	s0 =	sadd.s32 $0x8F2B, s0  }
0xc1: {  	[sflag:s0] =	ssyncadd.remote.s32 $0x1  }
0xc2: {  	_ =	sfence.sel $0xFFFF  }
0xc3: {  	[dreg:$0x0] =	wrdreg $0xFFFFFFFF;
	(pc) =	sbr.abs _section_cstart, $3  }
0xc4: {  	[dreg:$0x1] =	wrdreg $0xFFFFFFFF  }
0xc5: {  	_ =	task.clear_ibuf [dreg:s9], $0x2FFFF;
	_ =	strace $0x9FFFFFFF  }
0xc6: {  	(tm) =	ssettm $0x7FFFFFFF  }
0xc7: {  	_ =	shalt  }
tec
execute0_lowered:
.L_overlay_start_1:
0x0: {  	(tag) =	ssettag $0x1  }
0x1: {  	s1 =	rddreg [dreg:$0x0]  }
0x2: {  	s4 =	rddreg [dreg:$0x1]  }
0x3: {  	s5 =	rddreg [dreg:$0x2]  }
0x4: {  	s6 =	rddreg [dreg:$0x3]  }
0x5: {  	s0 =	rddreg [dreg:$0x4];
	s3 =	simm.s32 $0x0;
	s2 =	stileid.u32  }
0x6: {  	s7 =	srdreg.scid;
	s11 =	simm.s32 $0x1080;
	s12 =	simm.s32 $0x400  }
0x7: {  	v0 =	vimm.s32 $0xFFEDCBA9;
	v1 =	vimm.s32 $0x87654321;
	s13 =	simm.s32 $0x2;
	s14 =	simm.s32 $0x0;
	[smem:$0x7FF] =	sst s3  }
0x8: {  	s8 =	sshll.u32 s2, $0x9;
	s7 =	sand.u32 $0x1, s7;
	s9 =	sshll.u32 s2, $0x1;
	v0 =	vunpack.c.l.s4.s8 v0;
	v1 =	vunpack.c.l.s4.s8 v1  }
0x9: {  	_ =	strace $0x80000047;
	s8 =	sand.u32 $0x1800, s8;
	s10 =	ssub.s32 $0x2, s7  }
0xa: {  	s7 =	sor.u32 s7, s9;
	s6 =	sadd.s32 s8, s6;
	s31 =	sshrl.u32 s10, $0x1;
	v0 =	vunpack.c.0.s8.s32 v0;
	v1 =	vunpack.c.0.s8.s32 v1  }
0xb: {  	s9 =	sshll.u32 s7, $0x4;
	s7 =	sshll.u32 s7, $0x8;
	s8 =	ssub.s32 s10, s31  }
0xc: {  	s9 =	sand.u32 $0x70, s9;
	s4 =	sadd.s32 s4, s7;
	s5 =	sadd.s32 s5, s7;
	v1 =	vcombine.low v1, v0  }
0xd: {  	vm0 =	vmmov $0x7fff;
	s10 =	simm.s32 $0x1;
	s6 =	sadd.s32 s9, s6;
	s7 =	smax.u32 s8, $0x1  }
0xe: {  	vm1 =	vcmask $0x3F3C;
	s8 =	simm.s32 $0x80;
	s9 =	simm.s32 $0x880;
	v0 =	vimm.f32 $0.0e+00;
	s6 =	sadd.s32 $0x1000, s6;
	v1 =	vand.u32 $0xF, v1  }
.LBB2_1:
0xf: {  	[tilespmem:s3], [sflag:$0x1] =	stream.linear.gather [hbm4b:s1+s3], $0x80, $0x38;
	[tilespmem:$0x1880] =	vst v63  }
0x10: {  	_ = 	snop  }
0x11: {  	[tilespmem:s8], [sflag:$0x1] =	stream.linear.gather [hbm4b:s4+s3], $0x800, $0x38;
	[tilespmem:$0x1880] =	vst v63  }
0x12: {  	s15 =	simm.s32 $0x0;
	s16 =	simm.s32 $0x200  }
0x13: {  	[tilespmem:s9], [sflag:$0x1] =	stream.linear.gather [hbm4b:s5+s3], $0x800, $0x38;
	[tilespmem:$0x1880] =	vst v63  }
.LBB2_2:
0x14: {  	p0 =	sne.s32 s16, $0x1E00;
	[tilespmem:s15+$0x10F0] =	vst v0  }
0x15: {  	[tilespmem:s15+$0x1080] =	vst v0  }
0x16: {  	[tilespmem:s15+$0x1090] =	vst v0  }
.Ltmp0:
0x17: {  	[tilespmem:s15+$0x10A0] =	vst v0;
	(pc) =	sbr.rel @p0 .LBB2_2-.Ltmp0, $4  }
0x18: {  	[tilespmem:s15+$0x10B0] =	vst v0  }
0x19: {  	[tilespmem:s15+$0x10C0] =	vst v0  }
0x1a: {  	[tilespmem:s15+$0x10D0] =	vst v0  }
0x1b: {  	[tilespmem:s15+$0x10E0] =	vst v0;
	s15 =	sshra.s32 s16, $0x2;
	s16 =	sadd.s32 $0x200, s16  }
0x1c: {  	[tilespmem:s15+$0x10F0] =	vst v0  }
0x1d: {  	[tilespmem:s15+$0x1080] =	vst v0  }
0x1e: {  	[tilespmem:s15+$0x1090] =	vst v0  }
0x1f: {  	[tilespmem:s15+$0x10A0] =	vst v0  }
0x20: {  	[tilespmem:s15+$0x10B0] =	vst v0  }
0x21: {  	[tilespmem:s15+$0x10C0] =	vst v0  }
0x22: {  	[tilespmem:s15+$0x10D0] =	vst v0  }
0x23: {  	[tilespmem:s15+$0x10E0] =	vst v0  }
0x24: {  	_ =	swait.ge [sflag:s10], $0x80  }
0x25: {  	[sflag:s10] =	ssyncset.done $0x0  }
0x26: {  	[sflag:s10] =	ssyncadd.s32 $0xFFFFFF80  }
0x27: {  	_ =	swait.ge [sflag:s10], $0x800  }
0x28: {  	[sflag:s10] =	ssyncset.done $0x0  }
0x29: {  	[sflag:s10] =	ssyncadd.s32 $0xFFFFF800  }
0x2a: {  	_ =	swait.ge [sflag:s10], $0x800  }
0x2b: {  	[sflag:s10] =	ssyncset.done $0x0  }
0x2c: {  	s15 =	simm.s32 $0x0;
	[sflag:s10] =	ssyncadd.s32 $0xFFFFF800  }
.LBB2_4:
0x2d: {  	s16 =	sshra.s32 s15, $0x2  }
0x2e: {  	v2 =	vld [tilespmem:s16+$0x80];
	_ =	sdelay $0x7  }
0x2f: {  	v2 =	vld.idx.msk [tilespmem:v2+s3+$0x0], $0xffff;
	_ =	sdelay $0x2  }
0x30: {  	v3 =	vld [tilespmem:s16+$0x880];
	_ =	sdelay $0x1  }
0x31: {  	(xrf2) =	vadd.scan.msk.f32 $0xffff, v2;
	_ =	sdelay $0x2  }
0x32: {  	v2 =	vperm.xlane v3, v1;
	_ =	sdelay $0x1  }
0x33: {  	vm2 =	vne.s32 v3, v2  }
0x34: {  	vm3 =	vmor vm2, vm1  }
0x35: {  	vm2 =	vmand vm2, vm0;
	_ =	sdelay $0x2  }
0x36: {  	v4, _, _ =	vpop (xrf2)  }
0x37: {  	v5 =	vsub.f32 $0.0e+00, v4  }
0x38: {  	[tilespmem:v3+s11+$0x0] =	vst.idx.add.f32.msk vm3, v4  }
0x39: {  	[tilespmem:v2+s11+$0x0] =	vst.idx.add.f32.msk vm2, v5  }
0x3a: {  	v2 =	vld [tilespmem:s16+$0x90];
	_ =	sdelay $0x7  }
0x3b: {  	v2 =	vld.idx.msk [tilespmem:v2+s3+$0x0], $0xffff;
	_ =	sdelay $0x2  }
0x3c: {  	v3 =	vld [tilespmem:s16+$0x890];
	_ =	sdelay $0x1  }
0x3d: {  	(xrf2) =	vadd.scan.msk.f32 $0xffff, v2;
	_ =	sdelay $0x2  }
0x3e: {  	v2 =	vperm.xlane v3, v1;
	_ =	sdelay $0x1  }
0x3f: {  	vm2 =	vne.s32 v3, v2  }
0x40: {  	vm3 =	vmor vm2, vm1  }
0x41: {  	vm2 =	vmand vm2, vm0;
	_ =	sdelay $0x2  }
0x42: {  	v58, _, _ =	vpop (xrf2)  }
0x43: {  	v59 =	vsub.f32 $0.0e+00, v58  }
0x44: {  	[tilespmem:v3+s11+$0x0] =	vst.idx.add.f32.msk vm3, v58  }
0x45: {  	[tilespmem:v2+s11+$0x0] =	vst.idx.add.f32.msk vm2, v59  }
0x46: {  	v2 =	vld [tilespmem:s16+$0xA0];
	_ =	sdelay $0x7  }
0x47: {  	v2 =	vld.idx.msk [tilespmem:v2+s3+$0x0], $0xffff;
	_ =	sdelay $0x2  }
0x48: {  	v3 =	vld [tilespmem:s16+$0x8A0];
	_ =	sdelay $0x1  }
0x49: {  	(xrf2) =	vadd.scan.msk.f32 $0xffff, v2;
	_ =	sdelay $0x2  }
0x4a: {  	v2 =	vperm.xlane v3, v1;
	_ =	sdelay $0x1  }
0x4b: {  	vm2 =	vne.s32 v3, v2  }
0x4c: {  	vm3 =	vmor vm2, vm1  }
0x4d: {  	vm2 =	vmand vm2, vm0;
	_ =	sdelay $0x2  }
0x4e: {  	v60, _, _ =	vpop (xrf2)  }
0x4f: {  	v61 =	vsub.f32 $0.0e+00, v60  }
0x50: {  	[tilespmem:v3+s11+$0x0] =	vst.idx.add.f32.msk vm3, v60  }
0x51: {  	[tilespmem:v2+s11+$0x0] =	vst.idx.add.f32.msk vm2, v61  }
0x52: {  	v2 =	vld [tilespmem:s16+$0xB0];
	_ =	sdelay $0x7  }
0x53: {  	v2 =	vld.idx.msk [tilespmem:v2+s3+$0x0], $0xffff;
	_ =	sdelay $0x2  }
0x54: {  	v3 =	vld [tilespmem:s16+$0x8B0];
	_ =	sdelay $0x1  }
0x55: {  	(xrf2) =	vadd.scan.msk.f32 $0xffff, v2;
	_ =	sdelay $0x2  }
0x56: {  	v2 =	vperm.xlane v3, v1;
	_ =	sdelay $0x1  }
0x57: {  	vm2 =	vne.s32 v3, v2  }
0x58: {  	vm3 =	vmor vm2, vm1  }
0x59: {  	vm2 =	vmand vm2, vm0  }
0x5a: {  	p0 =	sne.s32 s15, $0x1F00  }
.Ltmp1:
0x5b: {  	_ = 	snop;
	(pc) =	sbr.rel @p0 .LBB2_4-.Ltmp1, $4  }
0x5c: {  	v62, _, _ =	vpop (xrf2)  }
0x5d: {  	v63 =	vsub.f32 $0.0e+00, v62  }
0x5e: {  	[tilespmem:v3+s11+$0x0] =	vst.idx.add.f32.msk vm3, v62  }
0x5f: {  	s15 =	sadd.s32 $0x100, s15;
	[tilespmem:v2+s11+$0x0] =	vst.idx.add.f32.msk vm2, v63  }
0x60: {  	s14 =	sadd.s32 $0x1, s14  }
0x61: {  	p0 =	sne.s32 s14, s7  }
.Ltmp2:
0x62: {  	_ = 	snop;
	(pc) =	sbr.rel @p0 .LBB2_1-.Ltmp2, $4  }
0x63: {  	[hbm4b:s6+s8] =	stream.strided.scatter [tilespmem:s11], [sflag:$0x2], $0x800, s12, s8, $0x38;
	[tilespmem:$0x1880] =	vst v63  }
0x64: {  	_ =	swait.ge [sflag:s13], $0x800  }
0x65: {  	[sflag:s13] =	ssyncset.done $0x0  }
0x66: {  	[sflag:s13] =	ssyncadd.s32 $0xFFFFF800  }
0x67: {  	_ =	sfence.sel $0x180000  }
0x68: {  	[bflag:$0x0] =	sbarrier.arrive $0xFFFF  }
0x69: {  	p0 =	sne.s32 s2, $0x0;
	_ =	strace $0x90000047  }
0x6a: {  	s0 =	sadd.s32 @!p0 $0x100000, s0;
	[bflag:$0x2] =	sbarrier.arrive $0xFFFF  }
0x6b: {  	[sflag:s0] =	ssyncadd.tile.s32 @!p0 $0x1;
	_ =	shalt  }
.Lfunc_end2:
_tile_overlayer_lowered:
.L_overlay_start_2:
0x6c: {  	(tag) =	ssettag $0x2  }
0x6d: {  	s0 =	rddreg [dreg:$0x0];
	s2 =	stileid.u32  }
0x6e: {  	s1 =	rddreg [dreg:$0x1];
	p0 =	sne.s32 s2, $0x0  }
0x6f: {  	s3 =	rddreg [dreg:$0x2];
	[bflag:$0x3] =	sbarrier.arrive $0xFFFF;
	s2 =	simm.s32 @!p0 $0x1C02  }
0x70: {  	[timem:s3], [sflag:s2] =	dma.local @!p0 [hbm:s0], s1  }
0x71: {  	s0 =	simm.s32 @!p0 $0x2  }
0x72: {  	_ =	swait.ge @!p0 [sflag:s0], s1  }
0x73: {  	s1 =	ssub.s32 @!p0 $0x0, s1;
	[sflag:s0] =	ssyncset.done @!p0 $0x0  }
0x74: {  	[sflag:s0] =	ssyncadd.s32 @!p0 s1  }
0x75: {  	[bflag:$0x3] =	sbarrier.arrive $0xFFFF  }
0x76: {  	_ =	shalt  }

</sc_bundles>
